<compile_context>
chip_gen: v7x
topology: tpu7x:2x2x1
jax: 0.10.2.dev20260603
libtpu: 0.0.44.dev20260713+nightly
codegen_flags: <defaults>
</compile_context>

<pallas_src>
import jax
import jax.numpy as jnp
from jax import lax
from jax.experimental import pallas as pl
from jax.experimental.pallas import tpu as pltpu
from jax.experimental.pallas import tpu_sc as plsc

N = 1_600_000
NUM_MOLS = 16_384
TAB_PAD = 1536

NUM_CORES = 2
NUM_SUBCORES = 16
NUM_WORKERS = NUM_CORES * NUM_SUBCORES
CHUNK = N // NUM_WORKERS
LANES = 16


def _sc_body(species_hbm, batch_hbm, tab_hbm, part_hbm, sp_v, b_v, tab_v, acc_v, sem):
    c = lax.axis_index("c")
    s = lax.axis_index("s")
    wid = s * NUM_CORES + c
    base = wid * CHUNK

    sp_dma = pltpu.async_copy(species_hbm.at[pl.ds(base, CHUNK)], sp_v, sem)
    b_dma = pltpu.async_copy(batch_hbm.at[pl.ds(base, CHUNK)], b_v, sem)
    pltpu.sync_copy(tab_hbm, tab_v)

    zeros = jnp.zeros((LANES,), jnp.float32)

    @plsc.parallel_loop(0, NUM_MOLS // LANES, unroll=8)
    def zero_body(i):
        acc_v[pl.ds(i * LANES, LANES)] = zeros

    sp_dma.wait()
    b_dma.wait()

    stride = CHUNK // LANES
    lane_base = lax.iota(jnp.int32, LANES) * stride

    lane_iota = lax.iota(jnp.int32, LANES)

    r0 = jnp.zeros((LANES,), jnp.float32)
    bp0 = plsc.load_gather(b_v, [lane_base])

    @plsc.parallel_loop(0, stride, unroll=16, carry=(r0, bp0))
    def body(i, carry):
        r, bp = carry
        idxv = lane_base + i
        sp = plsc.load_gather(sp_v, [idxv])
        b = plsc.load_gather(b_v, [idxv])
        v = plsc.load_gather(tab_v, [sp * LANES + lane_iota])
        m = b != bp
        plsc.addupdate_scatter(acc_v, [bp], r, mask=m)
        r = jnp.where(m, v, r + v)
        return r, b

    r_fin, bp_fin = body
    plsc.addupdate_scatter(acc_v, [bp_fin], r_fin)

    pltpu.sync_copy(acc_v, part_hbm.at[wid])


_sc_partials = pl.kernel(
    _sc_body,
    out_type=jax.ShapeDtypeStruct((NUM_WORKERS, NUM_MOLS), jnp.float32),
    mesh=plsc.VectorSubcoreMesh(
        core_axis_name="c",
        subcore_axis_name="s",
        num_cores=NUM_CORES,
        num_subcores=NUM_SUBCORES,
    ),
    scratch_types=[
        pltpu.VMEM((CHUNK,), jnp.int32),
        pltpu.VMEM((CHUNK,), jnp.int32),
        pltpu.VMEM((TAB_PAD,), jnp.float32),
        pltpu.VMEM((NUM_MOLS,), jnp.float32),
        pltpu.SemaphoreType.DMA,
    ],
    compiler_params=pltpu.CompilerParams(needs_layout_passes=False),
)


def _tc_reduce_body(p_ref, o_ref):
    o_ref[...] = jnp.sum(p_ref[...], axis=0, keepdims=True)


_tc_reduce = pl.pallas_call(
    _tc_reduce_body,
    out_shape=jax.ShapeDtypeStruct((1, NUM_MOLS), jnp.float32),
)


def kernel(species, batch, constant_shifts):
    species = species.astype(jnp.int32)
    batch = batch.astype(jnp.int32)
    tab = jnp.zeros((TAB_PAD,), jnp.float32).at[: 95 * LANES].set(
        jnp.repeat(constant_shifts[:, 0].astype(jnp.float32), LANES)
    )
    partials = _sc_partials(species, batch, tab)
    return _tc_reduce(partials)[0]

# --- scband reference (transcript-rebuilt; emitter-appended) ---
"""Pipeline reference for scband-reference-energies-33311766348125 (READ-ONLY COPY).

The authoritative reference and input builder live on the scoring server;
editing this copy changes nothing except your own understanding.
"""

import jax, jax.numpy as jnp
import numpy as np

N = 1_600_000
NUM_EMBEDDINGS = 95
NUM_MOLS = 16_384


def setup_inputs(seed: int = 0) -> dict:
    key = jax.random.key(seed)
    k1, k2, k3 = jax.random.split(key, 3)
    species = jax.random.randint(k1, (N,), 0, NUM_EMBEDDINGS)
    batch = jnp.sort(jax.random.randint(k2, (N,), 0, NUM_MOLS))
    # learned parameter (per-species reference energies); original inits to zeros,
    # use small random values so the output is non-trivial
    constant_shifts = jax.random.normal(k3, (NUM_EMBEDDINGS, 1), dtype=jnp.float32) * 0.1
    return {"species": species, "batch": batch, "constant_shifts": constant_shifts}


def reference(species, batch, constant_shifts):
    # energy_shift_per_atom = constant_shifts[..., 0][species]  (gather)
    energy_shift_per_atom = jnp.take(constant_shifts[..., 0], species, axis=0)
    # dim_size = len(unique(batch)); since batch is sorted and dense, this equals max+1,
    # which is statically NUM_MOLS
    num_segments = NUM_MOLS
    constant_contribution = jax.ops.segment_sum(
        energy_shift_per_atom, batch, num_segments=num_segments
    )
    return constant_contribution

if __name__ == "__main__":
    import jax
    _d = setup_inputs()
    print(jax.jit(kernel)(*tuple(_d.values())))

</pallas_src>

<mosaic_0001>
#map = affine_map<(d0, d1) -> (0)>
#map1 = affine_map<(d0, d1) -> (0, 0)>
module attributes {stable_mosaic.version = 14 : i64} {
  func.func @_sc_body(%arg0: i32, %arg1: i32, %arg2: memref<1600000xi32, #tpu.memory_space<hbm>>, %arg3: memref<1600000xi32, #tpu.memory_space<hbm>>, %arg4: memref<1536xf32, #tpu.memory_space<hbm>>, %arg5: memref<32x16384xf32, #tpu.memory_space<hbm>>, %arg6: memref<50000xi32, #tpu.memory_space<vmem>>, %arg7: memref<50000xi32, #tpu.memory_space<vmem>>, %arg8: memref<1536xf32, #tpu.memory_space<vmem>>, %arg9: memref<16384xf32, #tpu.memory_space<vmem>>, %arg10: memref<!tpu.dma_semaphore, #tpu.memory_space<semaphore_mem>>) attributes {dimension_semantics = [#tpu.dimension_semantics<core_parallel>, #tpu.dimension_semantics<subcore_parallel>], iteration_bounds = array<i64: 2, 16>, scalar_prefetch = 0 : i64, scratch_operands = 5 : i64, tpu.core_type = #tpu.core_type<sc_vector_subcore>, window_params = [{transform_indices = #map}, {transform_indices = #map}, {transform_indices = #map}, {transform_indices = #map1}]} {
    %mul3A = arith.constant 2 : i32
    %mul3A_0 = arith.muli %arg1, %mul3A : i32
    %add3A = arith.addi %mul3A_0, %arg0 : i32
    %mul3A_1 = arith.constant 50000 : i32
    %mul3A_2 = arith.muli %add3A, %mul3A_1 : i32
    %dma_start3A = tpu.memref_slice %arg2[%mul3A_2] : memref<1600000xi32, #tpu.memory_space<hbm>> -> memref<50000xi32, #tpu.memory_space<hbm>>
    %dma_start3A_3 = tpu.memref_slice %arg2[%mul3A_2] : memref<1600000xi32, #tpu.memory_space<hbm>> -> memref<50000xi32, #tpu.memory_space<hbm>>
    tpu.enqueue_dma source(%dma_start3A_3 : memref<50000xi32, #tpu.memory_space<hbm>>) target(%arg6 : memref<50000xi32, #tpu.memory_space<vmem>>) target_semaphore(%arg10 : memref<!tpu.dma_semaphore, #tpu.memory_space<semaphore_mem>>)
    %dma_start3A_4 = tpu.memref_slice %arg3[%mul3A_2] : memref<1600000xi32, #tpu.memory_space<hbm>> -> memref<50000xi32, #tpu.memory_space<hbm>>
    %dma_start3A_5 = tpu.memref_slice %arg3[%mul3A_2] : memref<1600000xi32, #tpu.memory_space<hbm>> -> memref<50000xi32, #tpu.memory_space<hbm>>
    tpu.enqueue_dma source(%dma_start3A_5 : memref<50000xi32, #tpu.memory_space<hbm>>) target(%arg7 : memref<50000xi32, #tpu.memory_space<vmem>>) target_semaphore(%arg10 : memref<!tpu.dma_semaphore, #tpu.memory_space<semaphore_mem>>)
    "tpu.region"() ({
      %run_scoped3A = tpu.sem_alloc : memref<!tpu.dma_semaphore, #tpu.memory_space<semaphore_mem>>
      tpu.enqueue_dma source(%arg4 : memref<1536xf32, #tpu.memory_space<hbm>>) target(%arg8 : memref<1536xf32, #tpu.memory_space<vmem>>) target_semaphore(%run_scoped3A : memref<!tpu.dma_semaphore, #tpu.memory_space<semaphore_mem>>)
      tpu.wait_dma2 semaphore(%run_scoped3A : memref<!tpu.dma_semaphore, #tpu.memory_space<semaphore_mem>>) src(%arg4 : memref<1536xf32, #tpu.memory_space<hbm>>) dst(%arg8 : memref<1536xf32, #tpu.memory_space<vmem>>)
      tpu.yield
    }) : () -> ()
    %broadcast_in_dim3A = arith.constant 0.000000e+00 : f32
    %broadcast_in_dim3A_6 = vector.broadcast %broadcast_in_dim3A : f32 to vector<16xf32>
    %parallel_loop3A = arith.constant 0 : i32
    %parallel_loop3A_7 = arith.constant 1024 : i32
    %parallel_loop3A_8 = arith.constant 1 : i32
    scf.for %parallel_loop3A_22 = %parallel_loop3A to %parallel_loop3A_7 step %parallel_loop3A_8  : i32 {
      %parallel_loop3A_23 = arith.constant 16 : i32
      %parallel_loop3A_24 = arith.muli %parallel_loop3A_22, %parallel_loop3A_23 : i32
      %parallel_loop3A_25 = arith.index_cast %parallel_loop3A_24 : i32 to index
      %parallel_loop3A_26 = tpu.vector_load %arg9[%parallel_loop3A_25] {strides = array<i32>} : memref<16384xf32, #tpu.memory_space<vmem>>, vector<16xf32>,
      tpu.vector_store %arg9[%parallel_loop3A_25], %broadcast_in_dim3A_6 {strides = array<i32>} : memref<16384xf32, #tpu.memory_space<vmem>>, vector<16xf32>,
    } {sc.loop_unroll_factor = 8 : i64, sc.parallel_access}
    %dma_wait3A = tpu.memref_slice %arg2[%mul3A_2] : memref<1600000xi32, #tpu.memory_space<hbm>> -> memref<50000xi32, #tpu.memory_space<hbm>>
    %dma_wait3A_9 = tpu.memref_slice %arg2[%mul3A_2] : memref<1600000xi32, #tpu.memory_space<hbm>> -> memref<50000xi32, #tpu.memory_space<hbm>>
    tpu.wait_dma2 semaphore(%arg10 : memref<!tpu.dma_semaphore, #tpu.memory_space<semaphore_mem>>) src(%dma_wait3A_9 : memref<50000xi32, #tpu.memory_space<hbm>>) dst(%arg6 : memref<50000xi32, #tpu.memory_space<vmem>>)
    %dma_wait3A_10 = tpu.memref_slice %arg3[%mul3A_2] : memref<1600000xi32, #tpu.memory_space<hbm>> -> memref<50000xi32, #tpu.memory_space<hbm>>
    %dma_wait3A_11 = tpu.memref_slice %arg3[%mul3A_2] : memref<1600000xi32, #tpu.memory_space<hbm>> -> memref<50000xi32, #tpu.memory_space<hbm>>
    tpu.wait_dma2 semaphore(%arg10 : memref<!tpu.dma_semaphore, #tpu.memory_space<semaphore_mem>>) src(%dma_wait3A_11 : memref<50000xi32, #tpu.memory_space<hbm>>) dst(%arg7 : memref<50000xi32, #tpu.memory_space<vmem>>)
    %iota3A = tpu.iota {dimensions = array<i32: 0>} : vector<16xi32>
    %mul3A_12 = arith.constant 3125 : i32
    %mul3A_13 = vector.broadcast %mul3A_12 : i32 to vector<16xi32>
    %mul3A_14 = arith.muli %iota3A, %mul3A_13 : vector<16xi32>
    %iota3A_15 = tpu.iota {dimensions = array<i32: 0>} : vector<16xi32>
    %broadcast_in_dim3A_16 = arith.constant 0.000000e+00 : f32
    %broadcast_in_dim3A_17 = vector.broadcast %broadcast_in_dim3A_16 : f32 to vector<16xf32>
    %gather3A = tpu.vector_load_idx %arg7[%mul3A_14] : memref<50000xi32, #tpu.memory_space<vmem>>[vector<16xi32>], vector<16xi32>,
    %parallel_loop3A_18 = arith.constant 0 : i32
    %parallel_loop3A_19 = arith.constant 3125 : i32
    %parallel_loop3A_20 = arith.constant 1 : i32
    %parallel_loop3A_21:2 = scf.for %parallel_loop3A_22 = %parallel_loop3A_18 to %parallel_loop3A_19 step %parallel_loop3A_20 iter_args(%parallel_loop3A_23 = %broadcast_in_dim3A_17, %parallel_loop3A_24 = %gather3A) -> (vector<16xf32>, vector<16xi32>)  : i32 {
      %parallel_loop3A_25 = vector.broadcast %parallel_loop3A_22 : i32 to vector<16xi32>
      %parallel_loop3A_26 = arith.addi %mul3A_14, %parallel_loop3A_25 : vector<16xi32>
      %parallel_loop3A_27 = tpu.vector_load_idx %arg6[%parallel_loop3A_26] : memref<50000xi32, #tpu.memory_space<vmem>>[vector<16xi32>], vector<16xi32>,
      %parallel_loop3A_28 = tpu.vector_load_idx %arg7[%parallel_loop3A_26] : memref<50000xi32, #tpu.memory_space<vmem>>[vector<16xi32>], vector<16xi32>,
      %parallel_loop3A_29 = arith.constant 16 : i32
      %parallel_loop3A_30 = vector.broadcast %parallel_loop3A_29 : i32 to vector<16xi32>
      %parallel_loop3A_31 = arith.muli %parallel_loop3A_27, %parallel_loop3A_30 : vector<16xi32>
      %parallel_loop3A_32 = arith.addi %parallel_loop3A_31, %iota3A_15 : vector<16xi32>
      %parallel_loop3A_33 = tpu.vector_load_idx %arg8[%parallel_loop3A_32] : memref<1536xf32, #tpu.memory_space<vmem>>[vector<16xi32>], vector<16xf32>,
      %parallel_loop3A_34 = arith.cmpi ne, %parallel_loop3A_28, %parallel_loop3A_24 : vector<16xi32>
      tpu.vector_store_idx %arg9[%parallel_loop3A_24], %parallel_loop3A_23 masked %parallel_loop3A_34 {add = true} : memref<16384xf32, #tpu.memory_space<vmem>>[vector<16xi32>], vector<16xf32>, vector<16xi1>
      %parallel_loop3A_35 = arith.addf %parallel_loop3A_23, %parallel_loop3A_33 : vector<16xf32>
      %parallel_loop3A_36 = arith.select %parallel_loop3A_34, %parallel_loop3A_33, %parallel_loop3A_35 : vector<16xi1>, vector<16xf32>
      scf.yield %parallel_loop3A_36, %parallel_loop3A_28 : vector<16xf32>, vector<16xi32>
    } {sc.loop_unroll_factor = 16 : i64, sc.parallel_access}
    tpu.vector_store_idx %arg9[%parallel_loop3A_21#1], %parallel_loop3A_21#0 {add = true} : memref<16384xf32, #tpu.memory_space<vmem>>[vector<16xi32>], vector<16xf32>,
    "tpu.region"() ({
      %run_scoped3A = tpu.sem_alloc : memref<!tpu.dma_semaphore, #tpu.memory_space<semaphore_mem>>
      %dma_start3A_22 = arith.constant 0 : i32
      %dma_start3A_23 = tpu.memref_slice %arg5[%add3A, %dma_start3A_22] : memref<32x16384xf32, #tpu.memory_space<hbm>> -> memref<1x16384xf32, #tpu.memory_space<hbm>>
      %dma_start3A_24 = tpu.memref_squeeze %dma_start3A_23 : memref<1x16384xf32, #tpu.memory_space<hbm>> -> memref<16384xf32, #tpu.memory_space<hbm>>
      %dma_start3A_25 = arith.constant 0 : i32
      %dma_start3A_26 = tpu.memref_slice %arg5[%add3A, %dma_start3A_25] : memref<32x16384xf32, #tpu.memory_space<hbm>> -> memref<1x16384xf32, #tpu.memory_space<hbm>>
      %dma_start3A_27 = tpu.memref_squeeze %dma_start3A_26 : memref<1x16384xf32, #tpu.memory_space<hbm>> -> memref<16384xf32, #tpu.memory_space<hbm>>
      tpu.enqueue_dma source(%arg9 : memref<16384xf32, #tpu.memory_space<vmem>>) target(%dma_start3A_27 : memref<16384xf32, #tpu.memory_space<hbm>>) target_semaphore(%run_scoped3A : memref<!tpu.dma_semaphore, #tpu.memory_space<semaphore_mem>>)
      %dma_wait3A_28 = arith.constant 0 : i32
      %dma_wait3A_29 = tpu.memref_slice %arg5[%add3A, %dma_wait3A_28] : memref<32x16384xf32, #tpu.memory_space<hbm>> -> memref<1x16384xf32, #tpu.memory_space<hbm>>
      %dma_wait3A_30 = tpu.memref_squeeze %dma_wait3A_29 : memref<1x16384xf32, #tpu.memory_space<hbm>> -> memref<16384xf32, #tpu.memory_space<hbm>>
      %dma_wait3A_31 = arith.constant 0 : i32
      %dma_wait3A_32 = tpu.memref_slice %arg5[%add3A, %dma_wait3A_31] : memref<32x16384xf32, #tpu.memory_space<hbm>> -> memref<1x16384xf32, #tpu.memory_space<hbm>>
      %dma_wait3A_33 = tpu.memref_squeeze %dma_wait3A_32 : memref<1x16384xf32, #tpu.memory_space<hbm>> -> memref<16384xf32, #tpu.memory_space<hbm>>
      tpu.wait_dma2 semaphore(%run_scoped3A : memref<!tpu.dma_semaphore, #tpu.memory_space<semaphore_mem>>) src(%arg9 : memref<16384xf32, #tpu.memory_space<vmem>>) dst(%dma_wait3A_33 : memref<16384xf32, #tpu.memory_space<hbm>>)
      tpu.yield
    }) : () -> ()
    return
  }
}

module attributes {stable_mosaic.version = 14 : i64} {
  func.func @_tc_reduce_body(%arg0: memref<32x16384xf32, #tpu.memory_space<vmem>>, %arg1: memref<1x16384xf32, #tpu.memory_space<vmem>>) attributes {dimension_semantics = [], scalar_prefetch = 0 : i64, scratch_operands = 0 : i64, tpu.core_type = #tpu.core_type<tc>} {
    %get3A = arith.constant 0 : index
    %get3A_0 = arith.constant 0 : index
    %get3A_1 = vector.load %arg0[%get3A, %get3A_0] : memref<32x16384xf32, #tpu.memory_space<vmem>>, vector<32x16384xf32>
    %reduce_sum3A = arith.constant dense<0.000000e+00> : vector<16384xf32>
    %reduce_sum3A_2 = vector.multi_reduction <add>, %get3A_1, %reduce_sum3A [0] : vector<32x16384xf32> to vector<16384xf32>
    %broadcast_in_dim3A = vector.shape_cast %reduce_sum3A_2 : vector<16384xf32> to vector<1x16384xf32>
    %swap3A = arith.constant 0 : index
    %swap3A_3 = arith.constant 0 : index
    %swap3A_4 = vector.load %arg1[%swap3A, %swap3A_3] : memref<1x16384xf32, #tpu.memory_space<vmem>>, vector<1x16384xf32>
    tpu.vector_store %arg1[%swap3A, %swap3A_3], %broadcast_in_dim3A {strides = array<i32>} : memref<1x16384xf32, #tpu.memory_space<vmem>>, vector<1x16384xf32>,
    return
  }
}

</mosaic_0001>

<sc_bundles>
// kernel: kernel.4.cloned.1.call-start
scs
__scs_entry_jumppad:
0x0: {  	(pc) =	sbr.rel $0x88, $3  }
0x1: {  	(tag) =	ssettag $0x0;
	lr =	simm.s32 $0x1  }
0x2: {  	[smem:$0x3F9E] =	sst lr;
	_ =	strace $0xD0000000  }
0x3: {  	_ = 	snop  }
0x4: {  	_ = 	snop  }
0x5: {  	_ = 	snop  }
0x6: {  	_ = 	snop  }
0x7: {  	_ = 	snop  }
__scs_overlays_trampoline_lowered:
0x8: {  	[smem:$0x3FAD] =	sst s0  }
0x9: {  	[smem:$0x3FAE] =	sst s1  }
0xa: {  	[smem:$0x3FAF] =	sst s2  }
0xb: {  	[smem:$0x3FB0] =	sst s3  }
0xc: {  	[smem:$0x3FB1] =	sst s4  }
0xd: {  	[smem:$0x3FB2] =	sst s5  }
0xe: {  	[smem:$0x3FB3] =	sst s6  }
0xf: {  	[smem:$0x3FB4] =	sst s7  }
0x10: {  	[smem:$0x3FB5] =	sst s8  }
0x11: {  	[smem:$0x3FB6] =	sst s9;
	s0 =	simm.s32 @!p0 $0x0  }
0x12: {  	s1 =	sld [smem:$0x3F9C];
	s0 =	simm.s32 @p0 $0x1  }
0x13: {  	[smem:$0x3FB7] =	sst s0;
	s0 =	simm.s32 @!p1 $0x0  }
0x14: {  	s2 =	sld [smem:$0x3F9B];
	s0 =	simm.s32 @p1 $0x1  }
0x15: {  	[smem:$0x3FB8] =	sst s0;
	s0 =	simm.s32 @!p2 $0x0  }
0x16: {  	s3 =	sld [smem:$0x3FDB];
	s0 =	simm.s32 @p2 $0x1  }
0x17: {  	s4 =	simm.s32 $0x1BF5;
	[smem:$0x3FBA] =	sst s0  }
0x18: {  	s0 =	sld [smem:$0x3F9D];
	_ =	swait.ge [sflag:s4], $0x0  }
0x19: {  	s7 =	sld [smem:$0x3F9E]  }
0x1a: {  	s8 =	sadd.s32 $0xFFFFE003, lr  }
0x1b: {  	s9 =	sadd.s32 $0xFFFFFEF7, lr;
	s5 =	simm.s32 $0xFFFFFFFF;
	p2 =	slt.u32 s8, $0xFFFFF086  }
0x1c: {  	p1 =	slt.u32 s9, $0xF7A;
	s5 =	simm.s32 @!p2 $0x0  }
0x1d: {  	s5 =	simm.s32 @p1 $0x1;
	p0 =	seq.s32 s7, s2  }
0x1e: {  	s7 =	smul.u32 @!p0 $0xF7A, s2;
	p2 =	seq.s32 @!p0 s5, $0x0  }
0x1f: {  	s9 =	smul.u32 $0xF7A, s1;
	s8 =	simm.s32 @!p0 $0x1BF5;
	p2 =	por !p2, p0  }
0x20: {  	[sflag:s8] =	ssyncset.s32 @!p0 $0xFFFFF086;
	s6 =	sadd.s32 @!p0 s3, s7;
	s7 =	simm.s32 @!p0 $0x108  }
0x21: {  	s3 =	sadd.s32 s3, s9;
	s6 =	sadd.s32 @!p0 $0x88, s6;
	s7 =	simm.s32 @p2 $0x1082  }
0x22: {  	[simem:s7], [sflag:s8] =	dma.local @!p0 [hbm:s6], $0xF7A  }
0x23: {  	s9 =	sor.u32 $0xD0000000, s2;
	s6 =	simm.s32 $0x108;
	_ =	swait.ge @!p0 [sflag:s8], $0x0  }
0x24: {  	s3 =	sadd.s32 $0x88, s3;
	s6 =	simm.s32 @!p1 $0x1082;
	[sflag:s4] =	ssyncset.s32 $0xFFFFF086  }
0x25: {  	[simem:s6], [sflag:s4] =	dma.local [hbm:s3], $0xF7A  }
0x26: {  	[smem:$0x3F9E] =	sst s1;
	(tag) =	ssettag s2;
	_ =	strace s9  }
0x27: {  	s1 =	sld [smem:$0x3FAE]  }
0x28: {  	s2 =	sld [smem:$0x3FAF]  }
0x29: {  	s4 =	sld [smem:$0x3FB1]  }
0x2a: {  	p0 =	seq.s32 s5, $0x0;
	s5 =	sld [smem:$0x3FB2]  }
0x2b: {  	s6 =	sld [smem:$0x3FB3]  }
0x2c: {  	s7 =	sld [smem:$0x3FB4]  }
0x2d: {  	s3 =	simm.s32 $0x108;
	s8 =	sld [smem:$0x3FB5]  }
0x2e: {  	s3 =	simm.s32 @!p0 $0x1082;
	s9 =	sld [smem:$0x3FB6]  }
0x2f: {  	lr =	sadd.s32 s0, s3;
	s0 =	sld [smem:$0x3FAD]  }
0x30: {  	s3 =	sld [smem:$0x3FB0]  }
0x31: {  	[smem:$0x3FB9] =	sst s10  }
0x32: {  	s10 =	sld [smem:$0x3FB7];
	_ =	sdelay $0x3  }
0x33: {  	p0 =	seq.s32 s10, $0x1;
	s10 =	sld [smem:$0x3FB9];
	_ =	sdelay $0x3  }
0x34: {  	[smem:$0x3FB9] =	sst s10  }
0x35: {  	s10 =	sld [smem:$0x3FB8];
	_ =	sdelay $0x3  }
0x36: {  	p1 =	seq.s32 s10, $0x1;
	s10 =	sld [smem:$0x3FB9];
	_ =	sdelay $0x3  }
0x37: {  	[smem:$0x3FB9] =	sst s10  }
0x38: {  	s10 =	sld [smem:$0x3FBA]  }
0x39: {  	_ = 	snop;
	(pc) =	sbr.ind lr, $3  }
0x3a: {  	_ = 	snop  }
0x3b: {  	_ = 	snop  }
0x3c: {  	p2 =	seq.s32 s10, $0x1;
	s10 =	sld [smem:$0x3FB9]  }
0x3d: {  	_ =	shalt  }
0x3e: {  	_ =	shalt  }
0x3f: {  	_ =	shalt  }
0x40: {  	_ =	shalt  }
0x41: {  	_ =	shalt  }
0x42: {  	_ =	shalt  }
0x43: {  	_ =	shalt  }
0x44: {  	_ =	shalt  }
0x45: {  	_ =	shalt  }
0x46: {  	_ =	shalt  }
0x47: {  	_ =	shalt  }
0x48: {  	_ =	shalt  }
0x49: {  	_ =	shalt  }
0x4a: {  	_ =	shalt  }
0x4b: {  	_ =	shalt  }
0x4c: {  	_ =	shalt  }
0x4d: {  	_ =	shalt  }
0x4e: {  	_ =	shalt  }
0x4f: {  	_ =	shalt  }
0x50: {  	_ =	shalt  }
0x51: {  	_ =	shalt  }
0x52: {  	_ =	shalt  }
0x53: {  	_ =	shalt  }
0x54: {  	_ =	shalt  }
0x55: {  	_ =	shalt  }
0x56: {  	_ =	shalt  }
0x57: {  	_ =	shalt  }
0x58: {  	_ =	shalt  }
0x59: {  	_ =	shalt  }
0x5a: {  	_ =	shalt  }
0x5b: {  	_ =	shalt  }
0x5c: {  	_ =	shalt  }
0x5d: {  	_ =	shalt  }
0x5e: {  	_ =	shalt  }
0x5f: {  	_ =	shalt  }
0x60: {  	_ =	shalt  }
0x61: {  	_ =	shalt  }
0x62: {  	_ =	shalt  }
0x63: {  	_ =	shalt  }
0x64: {  	_ =	shalt  }
0x65: {  	_ =	shalt  }
0x66: {  	_ =	shalt  }
0x67: {  	_ =	shalt  }
0x68: {  	_ =	shalt  }
0x69: {  	_ =	shalt  }
0x6a: {  	_ =	shalt  }
0x6b: {  	_ =	shalt  }
0x6c: {  	_ =	shalt  }
0x6d: {  	_ =	shalt  }
0x6e: {  	_ =	shalt  }
0x6f: {  	_ =	shalt  }
0x70: {  	_ =	shalt  }
0x71: {  	_ =	shalt  }
0x72: {  	_ =	shalt  }
0x73: {  	_ =	shalt  }
0x74: {  	_ =	shalt  }
0x75: {  	_ =	shalt  }
0x76: {  	_ =	shalt  }
0x77: {  	_ =	shalt  }
0x78: {  	_ =	shalt  }
0x79: {  	_ =	shalt  }
0x7a: {  	_ =	shalt  }
0x7b: {  	_ =	shalt  }
0x7c: {  	_ =	shalt  }
0x7d: {  	_ =	shalt  }
0x7e: {  	_ =	shalt  }
0x7f: {  	_ =	shalt  }
0x80: {  	_ =	shalt  }
0x81: {  	_ =	shalt  }
0x82: {  	_ =	shalt  }
0x83: {  	_ =	shalt  }
0x84: {  	_ =	shalt  }
0x85: {  	_ =	shalt  }
0x86: {  	_ =	shalt  }
0x87: {  	_ =	shalt  }
.Lfunc_end0:
.L_simem_size_0:
called_computation_lowered:
.L_overlay_start_0:
0x88: {  	s2 =	sld [smem:$0x3FD9]  }
0x89: {  	s3 =	sld [smem:$0x3FFE];
	_ =	sdelay $0x1  }
0x8a: {  	s1 =	srdreg.scid  }
0x8b: {  	s0 =	sand.u32 $0x1, s1  }
0x8c: {  	s17 =	sshll.u32 s0, $0xA;
	s2 =	sadd.s32 s3, s2  }
0x8d: {  	s2 =	sadd.s32 s2, s17  }
0x8e: {  	[smem:$0x3FC5] =	sst s2  }
0x8f: {  	_ = 	snop  }
0x90: {  	s2 =	sld [smem:$0x3FC9]  }
0x91: {  	s18 =	sld [smem:$0x3FC8]  }
0x92: {  	s4 =	sld [smem:$0x3FD0];
	(tm) =	ssettm $0x1  }
0x93: {  	s5 =	sld [smem:$0x3FFB];
	_ =	sdelay $0x3  }
0x94: {  	_ =	strace s5  }
0x95: {  	s5 =	sld [smem:$0x3FFC];
	_ =	sdelay $0x3  }
0x96: {  	_ =	strace s5  }
0x97: {  	s5 =	sld [smem:$0x3FFD];
	_ =	sdelay $0x3  }
0x98: {  	_ =	strace s5  }
0x99: {  	_ =	strace $0x8FFFFFFF  }
0x9a: {  	s19 =	sld [smem:$0x3FDB];
	_ =	sdelay $0x1  }
0x9b: {  	s6 =	simm.s32 $_scs_section_size  }
0x9c: {  	s7 =	simm.s32 $_size__tile_overlayer_lowered;
	s8 =	simm.s32 $_tile_overlayer_lowered  }
0x9d: {  	s22 =	simm.s32 $0x1BFF;
	s21 =	sshll.u32 s8, $0x1;
	s5 =	sadd.s32 s6, s19  }
0x9e: {  	s9 =	simm.s32 $0x0;
	s20 =	sshll.u32 s7, $0x1;
	s7 =	sadd.s32 s21, s5  }
0x9f: {  	[timem:s9], [sflag:s22] =	dma.local [hbm:s7], s20  }
0xa0: {  	_ =	swait.ge [sflag:s22], s20  }
0xa1: {  	s6 =	ssub.s32 $0x0, s20;
	[sflag:s22] =	ssyncset.done $0x0  }
0xa2: {  	[sflag:s22] =	ssyncadd.s32 s6;
	_ =	sdelay $0x1  }
0xa3: {  	s23 =	simm.s32 $0x1B8B  }
0xa4: {  	_ =	swait.ge [sflag:s23], $0x1  }
0xa5: {  	[sflag:s23] =	ssyncset.done $0x0  }
0xa6: {  	s25 =	simm.s32 $0x1B8E;
	s24 =	sld [smem:$0x3FFE];
	[sflag:s23] =	ssyncadd.s32 $0xFFFFFFFF  }
0xa7: {  	s26 =	simm.s32 $execute0_lowered;
	[smem:$0x3FD2] =	sst s25  }
0xa8: {  	s7 =	sshll.u32 s26, $0x1;
	_ =	strace $0x80000046;
	[dreg:$0x1] =	wrdreg $0xFFFFFFFF  }
0xa9: {  	s28 =	simm.s32 $_size_execute0_lowered;
	s5 =	sadd.s32 s5, s7;
	[dreg:$0x0] =	wrdreg $0x0  }
0xaa: {  	s7 =	sshll.u32 s28, $0x1;
	[dreg:$0x2] =	wrdreg s5  }
0xab: {  	[dreg:$0x3] =	wrdreg s7  }
0xac: {  	[dreg:$0x4] =	wrdreg $0xC0  }
0xad: {  	_ =	task [dreg:s9], $0x5FFFF  }
0xae: {  	[dreg:$0x1] =	wrdreg $0xFFFFFFFF  }
0xaf: {  	[dreg:$0x0] =	wrdreg $0x60  }
0xb0: {  	[dreg:$0x2] =	wrdreg s2  }
0xb1: {  	[dreg:$0x3] =	wrdreg s18  }
0xb2: {  	[dreg:$0x4] =	wrdreg s4  }
0xb3: {  	[dreg:$0x5] =	wrdreg s24  }
0xb4: {  	[dreg:$0x6] =	wrdreg $0x9  }
0xb5: {  	_ =	task.clear_ibuf [dreg:s9], $0x7FFFF;
	_ =	strace $0x90000046  }
0xb6: {  	s29 =	simm.s32 $0x9;
	_ =	strace $0x80000048  }
0xb7: {  	_ =	swait.ge [sflag:s29], $0x1  }
0xb8: {  	[sflag:s29] =	ssyncadd.s32 $0xFFFFFFFF  }
0xb9: {  	_ =	strace $0x90000048  }
0xba: {  	_ =	sfence  }
0xbb: {  	s30 =	sld [smem:$0x0];
	_ =	sdelay $0x2  }
0xbc: {  	s31 =	sshll.u32 s1, $0xD;
	s1 =	sshrl.u32 s1, $0x2  }
0xbd: {  	s3 =	sand.u32 $0x4000, s31;
	s1 =	sadd.s32 s1, s30  }
0xbe: {  	s0 =	sor.u32 s3, s0;
	s1 =	sshll.u32 s1, $0x11  }
0xbf: {  	s0 =	sor.u32 s1, s0  }
0xc0: {  	s0 =	sadd.s32 $0x8F2B, s0  }
0xc1: {  	[sflag:s0] =	ssyncadd.remote.s32 $0x1  }
0xc2: {  	_ =	sfence.sel $0xFFFF  }
0xc3: {  	[dreg:$0x0] =	wrdreg $0xFFFFFFFF;
	(pc) =	sbr.abs _section_cstart, $3  }
0xc4: {  	[dreg:$0x1] =	wrdreg $0xFFFFFFFF  }
0xc5: {  	_ =	task.clear_ibuf [dreg:s9], $0x2FFFF;
	_ =	strace $0x9FFFFFFF  }
0xc6: {  	(tm) =	ssettm $0x7FFFFFFF  }
0xc7: {  	_ =	shalt  }
tec
execute0_lowered:
.L_overlay_start_1:
0x0: {  	(tag) =	ssettag $0x1  }
0x1: {  	s4 =	rddreg [dreg:$0x0]  }
0x2: {  	s5 =	rddreg [dreg:$0x1]  }
0x3: {  	s2 =	rddreg [dreg:$0x2]  }
0x4: {  	s6 =	rddreg [dreg:$0x3]  }
0x5: {  	s0 =	rddreg [dreg:$0x4]  }
0x6: {  	s3 =	simm.s32 $0x0;
	s1 =	stileid.u32;
	s7 =	srdreg.scid  }
0x7: {  	s11 =	simm.s32 $0x1;
	s12 =	simm.s32 $0x18D00;
	s13 =	simm.s32 $0x80  }
0x8: {  	s14 =	simm.s32 $0x400;
	s15 =	simm.s32 $0x0;
	s8 =	sshll.u32 s1, $0xC  }
0x9: {  	s7 =	sand.u32 $0x1, s7;
	s9 =	sshll.u32 s1, $0x1;
	[smem:$0x7FF] =	sst s3  }
0xa: {  	s8 =	sand.u32 $0xC000, s8;
	s9 =	sor.u32 s7, s9;
	s7 =	ssub.s32 $0x2, s7  }
0xb: {  	_ =	strace $0x80000047;
	s6 =	sadd.s32 s8, s6;
	s31 =	sshll.u32 s9, $0x4  }
0xc: {  	s10 =	sshrl.u32 s7, $0x1;
	s9 =	smul.u32 $0x186A, s9;
	s8 =	sand.u32 $0x70, s31  }
0xd: {  	v0 =	vlaneseq.u32;
	s7 =	ssub.s32 s7, s10;
	s10 =	simm.s32 $0x2;
	s6 =	sadd.s32 s8, s6  }
0xe: {  	v2 =	vmul.u32 $0xC35, v0;
	s4 =	sadd.s32 s4, s9;
	s5 =	sadd.s32 s5, s9;
	s7 =	smax.u32 s7, $0x1  }
0xf: {  	v1 =	vimm.f32 $0.0e+00;
	s8 =	simm.s32 $0xC380;
	s9 =	simm.s32 $0x18700;
	s6 =	sadd.s32 $0x600, s6  }
.LBB2_1:
0x10: {  	[tilespmem:s3], [sflag:$0x1] =	stream.linear.gather [hbm4b:s4+s3], $0xC350, $0x38;
	[tilespmem:$0x1CD00] =	vst v63  }
0x11: {  	_ = 	snop  }
0x12: {  	[tilespmem:s8], [sflag:$0x1] =	stream.linear.gather [hbm4b:s5+s3], $0xC350, $0x38;
	[tilespmem:$0x1CD00] =	vst v63  }
0x13: {  	_ = 	snop  }
0x14: {  	[tilespmem:s9], [sflag:$0x2] =	stream.linear.gather [hbm4b:s2+s3], $0x600, $0x38;
	[tilespmem:$0x1CD00] =	vst v63  }
0x15: {  	_ =	swait.ge [sflag:s10], $0x600  }
0x16: {  	[sflag:s10] =	ssyncset.done $0x0  }
0x17: {  	s16 =	simm.s32 $0x18D40;
	[sflag:s10] =	ssyncadd.s32 $0xFFFFFA00  }
0x18: {  	[tilespmem:s16+$0xFFFFFFC0] =	vst v1  }
0x19: {  	[tilespmem:s16+$0x30] =	vst v1  }
0x1a: {  	[tilespmem:s16+$0x20] =	vst v1  }
0x1b: {  	[tilespmem:s16+$0x10] =	vst v1  }
0x1c: {  	[tilespmem:s16+$0x0] =	vst v1  }
0x1d: {  	[tilespmem:s16+$0xFFFFFFF0] =	vst v1  }
0x1e: {  	s17 =	simm.s32 $0x0;
	[tilespmem:s16+$0xFFFFFFE0] =	vst v1  }
.LBB2_2:
0x1f: {  	s17 =	sadd.s32 $0x8, s17;
	[tilespmem:s16+$0xFFFFFFD0] =	vst v1;
	s16 =	sadd.s32 $0x80, s16  }
0x20: {  	[tilespmem:s16+$0xFFFFFFC0] =	vst v1;
	p0 =	slt.u32 s17, $0x3F8  }
0x21: {  	[tilespmem:s16+$0x30] =	vst v1  }
.Ltmp0:
0x22: {  	[tilespmem:s16+$0x20] =	vst v1;
	(pc) =	sbr.rel @p0 .LBB2_2-.Ltmp0, $4  }
0x23: {  	[tilespmem:s16+$0x10] =	vst v1  }
0x24: {  	[tilespmem:s16+$0x0] =	vst v1  }
0x25: {  	[tilespmem:s16+$0xFFFFFFF0] =	vst v1  }
0x26: {  	[tilespmem:s16+$0xFFFFFFE0] =	vst v1  }
0x27: {  	[tilespmem:s16+$0xFFFFFFD0] =	vst v1  }
0x28: {  	s30 =	simm.s32 $0x0;
	_ =	swait.ge [sflag:s11], $0xC350  }
0x29: {  	v4 =	vadd.s32 s30, v2;
	[sflag:s11] =	ssyncset.done $0x0  }
0x2a: {  	[sflag:s11] =	ssyncadd.s32 $0xFFFF3CB0  }
0x2b: {  	s31 =	simm.s32 $0x1;
	_ =	swait.ge [sflag:s11], $0xC350  }
0x2c: {  	v6 =	vadd.s32 s31, v2;
	[sflag:s11] =	ssyncset.done $0x0  }
0x2d: {  	[sflag:s11] =	ssyncadd.s32 $0xFFFF3CB0  }
0x2e: {  	s17 =	simm.s32 $0x2;
	v3 =	vld.idx.msk [tilespmem:v4+s3+$0x0], $0xffff  }
0x2f: {  	s18 =	simm.s32 $0x3;
	v7 =	vadd.s32 s17, v2  }
0x30: {  	s19 =	simm.s32 $0x4;
	v9 =	vadd.s32 s18, v2  }
0x31: {  	s20 =	simm.s32 $0x5;
	v10 =	vadd.s32 s19, v2;
	v5 =	vld.idx.msk [tilespmem:v6+s3+$0x0], $0xffff  }
0x32: {  	v14 =	vadd.s32 s20, v2  }
0x33: {  	v3 =	vshll.u32 v3, $0x4  }
0x34: {  	v8 =	vld.idx.msk [tilespmem:v7+s3+$0x0], $0xffff;
	v11 =	vor.u32 v0, v3  }
0x35: {  	v12 =	vld.idx.msk [tilespmem:v9+s3+$0x0], $0xffff  }
0x36: {  	v15 =	vld.idx.msk [tilespmem:v10+s3+$0x0], $0xffff;
	v5 =	vshll.u32 v5, $0x4  }
0x37: {  	s21 =	simm.s32 $0x6;
	v17 =	vld.idx.msk [tilespmem:v14+s3+$0x0], $0xffff;
	v13 =	vor.u32 v0, v5  }
0x38: {  	v16 =	vadd.s32 s21, v2;
	v3 =	vld.idx.msk [tilespmem:v2+s8+$0x0], $0xffff  }
0x39: {  	v8 =	vshll.u32 v8, $0x4;
	v11 =	vld.idx.msk [tilespmem:v11+s9+$0x0], $0xffff  }
0x3a: {  	v5 =	vld.idx.msk [tilespmem:v4+s8+$0x0], $0xffff;
	v8 =	vor.u32 v0, v8  }
0x3b: {  	v6 =	vld.idx.msk [tilespmem:v6+s8+$0x0], $0xffff;
	v4 =	vshll.u32 v12, $0x4  }
0x3c: {  	s22 =	simm.s32 $0x7;
	v12 =	vor.u32 v0, v4;
	v13 =	vld.idx.msk [tilespmem:v13+s9+$0x0], $0xffff  }
0x3d: {  	v18 =	vadd.s32 s22, v2;
	v19 =	vld.idx.msk [tilespmem:v16+s3+$0x0], $0xffff;
	v4 =	vimm.f32 $0.0e+00  }
0x3e: {  	v30 =	vld.idx.msk [tilespmem:v16+s8+$0x0], $0xffff;
	v15 =	vshll.u32 v15, $0x4;
	v20 =	vadd.f32 v11, v4  }
0x3f: {  	s23 =	simm.s32 $0x8;
	v15 =	vor.u32 v0, v15;
	v21 =	vld.idx.msk [tilespmem:v8+s9+$0x0], $0xffff;
	vm0 =	vne.s32 v5, v3  }
0x40: {  	v22 =	vadd.s32 s23, v2;
	v8 =	vld.idx.msk [tilespmem:v7+s8+$0x0], $0xffff;
	v7 =	vsel vm0, v11, v20  }
0x41: {  	v24 =	vld.idx.msk [tilespmem:v12+s9+$0x0], $0xffff;
	v12 =	vshll.u32 v17, $0x4;
	v23 =	vadd.f32 v13, v7  }
0x42: {  	vm1 =	vne.s32 v6, v5;
	v17 =	vor.u32 v0, v12;
	v20 =	vld.idx.msk [tilespmem:v18+s3+$0x0], $0xffff  }
0x43: {  	s24 =	simm.s32 $0x9;
	v11 =	vld.idx.msk [tilespmem:v9+s8+$0x0], $0xffff;
	v9 =	vsel vm1, v13, v23  }
0x44: {  	v25 =	vadd.s32 s24, v2;
	v26 =	vld.idx.msk [tilespmem:v15+s9+$0x0], $0xffff;
	v12 =	vadd.f32 v21, v9  }
0x45: {  	v15 =	vshll.u32 v19, $0x4;
	vm2 =	vne.s32 v8, v6;
	v23 =	vld.idx.msk [tilespmem:v22+s3+$0x0], $0xffff  }
0x46: {  	s25 =	simm.s32 $0xA;
	v13 =	vld.idx.msk [tilespmem:v10+s8+$0x0], $0xffff;
	v10 =	vor.u32 v0, v15;
	v12 =	vsel vm2, v21, v12  }
0x47: {  	v19 =	vadd.s32 s25, v2;
	v17 =	vld.idx.msk [tilespmem:v17+s9+$0x0], $0xffff;
	v27 =	vadd.f32 v24, v12  }
0x48: {  	v15 =	vld.idx.msk [tilespmem:v14+s8+$0x0], $0xffff;
	v20 =	vshll.u32 v20, $0x4;
	vm3 =	vne.s32 v11, v8  }
0x49: {  	s26 =	simm.s32 $0xB;
	v21 =	vld.idx.msk [tilespmem:v25+s3+$0x0], $0xffff;
	v20 =	vor.u32 v0, v20;
	v14 =	vsel vm3, v24, v27  }
0x4a: {  	v28 =	vadd.s32 s26, v2;
	s31 =	simm.s32 $0xF;
	v34 =	vld.idx.msk [tilespmem:v22+s8+$0x0], $0xffff;
	v27 =	vadd.f32 v26, v14  }
0x4b: {  	v35 =	vadd.s32 s31, v2;
	v10 =	vld.idx.msk [tilespmem:v10+s9+$0x0], $0xffff;
	v23 =	vshll.u32 v23, $0x4;
	vm4 =	vne.s32 v13, v11  }
0x4c: {  	s28 =	simm.s32 $0xC;
	v24 =	vld.idx.msk [tilespmem:v19+s3+$0x0], $0xffff;
	v23 =	vor.u32 v0, v23;
	v16 =	vsel vm4, v26, v27  }
0x4d: {  	v29 =	vadd.s32 s28, v2;
	v18 =	vld.idx.msk [tilespmem:v18+s8+$0x0], $0xffff;
	v27 =	vadd.f32 v17, v16  }
0x4e: {  	vm5 =	vne.s32 v15, v13;
	v20 =	vld.idx.msk [tilespmem:v20+s9+$0x0], $0xffff;
	v21 =	vshll.u32 v21, $0x4  }
0x4f: {  	s29 =	simm.s32 $0xD;
	v26 =	vld.idx.msk [tilespmem:v28+s3+$0x0], $0xffff;
	v21 =	vor.u32 v0, v21;
	v17 =	vsel vm5, v17, v27  }
0x50: {  	v31 =	vadd.s32 s29, v2;
	v61 =	vld.idx.msk [tilespmem:v35+s3+$0x0], $0xffff;
	v32 =	vadd.f32 v10, v17  }
0x51: {  	vm6 =	vne.s32 v30, v15;
	v23 =	vld.idx.msk [tilespmem:v23+s9+$0x0], $0xffff;
	v24 =	vshll.u32 v24, $0x4  }
0x52: {  	s30 =	simm.s32 $0xE;
	v27 =	vld.idx.msk [tilespmem:v29+s3+$0x0], $0xffff;
	v22 =	vor.u32 v0, v24;
	v10 =	vsel vm6, v10, v32  }
0x53: {  	v33 =	vadd.s32 s30, v2;
	vm7 =	vne.s32 v18, v30;
	v25 =	vld.idx.msk [tilespmem:v25+s8+$0x0], $0xffff;
	v32 =	vadd.f32 v20, v10  }
0x54: {  	v21 =	vld.idx.msk [tilespmem:v21+s9+$0x0], $0xffff;
	v26 =	vshll.u32 v26, $0x4  }
0x55: {  	v24 =	vld.idx.msk [tilespmem:v31+s3+$0x0], $0xffff;
	v26 =	vor.u32 v0, v26;
	v32 =	vsel vm7, v20, v32  }
0x56: {  	v37 =	vld.idx.msk [tilespmem:v19+s8+$0x0], $0xffff;
	vm8 =	vne.s32 v34, v18;
	v36 =	vadd.f32 v23, v32  }
0x57: {  	v22 =	vld.idx.msk [tilespmem:v22+s9+$0x0], $0xffff;
	v27 =	vshll.u32 v27, $0x4  }
0x58: {  	v20 =	vld.idx.msk [tilespmem:v33+s3+$0x0], $0xffff;
	v19 =	vor.u32 v0, v27;
	v27 =	vsel vm8, v23, v36  }
0x59: {  	vm9 =	vne.s32 v25, v34;
	[tilespmem:v30+s12+$0x0] =	vst.idx.add.f32.msk vm7, v10;
	v38 =	vadd.f32 v21, v27  }
0x5a: {  	v24 =	vshll.u32 v24, $0x4;
	v26 =	vld.idx.msk [tilespmem:v26+s9+$0x0], $0xffff  }
0x5b: {  	v24 =	vor.u32 v0, v24;
	v23 =	vld.idx.msk [tilespmem:v28+s8+$0x0], $0xffff;
	v10 =	vsel vm9, v21, v38  }
0x5c: {  	vm7 =	vne.s32 v37, v25;
	[tilespmem:v18+s12+$0x0] =	vst.idx.add.f32.msk vm8, v32;
	v21 =	vadd.f32 v22, v10  }
0x5d: {  	v19 =	vld.idx.msk [tilespmem:v19+s9+$0x0], $0xffff;
	v28 =	vshll.u32 v20, $0x4  }
0x5e: {  	v20 =	vld.idx.msk [tilespmem:v29+s8+$0x0], $0xffff;
	v28 =	vor.u32 v0, v28;
	v29 =	vsel vm7, v22, v21  }
0x5f: {  	[tilespmem:v34+s12+$0x0] =	vst.idx.add.f32.msk vm9, v27;
	v18 =	vadd.f32 v26, v29  }
0x60: {  	v62 =	vld.idx.msk [tilespmem:v24+s9+$0x0], $0xffff;
	vm10 =	vne.s32 v23, v37;
	v21 =	vshll.u32 v61, $0x4  }
0x61: {  	v22 =	vld.idx.msk [tilespmem:v31+s8+$0x0], $0xffff;
	v63 =	vor.u32 v0, v21;
	v27 =	vsel vm10, v26, v18  }
0x62: {  	[tilespmem:v25+s12+$0x0] =	vst.idx.add.f32.msk vm7, v10;
	v18 =	vadd.f32 v19, v27  }
0x63: {  	vm8 =	vne.s32 v20, v23;
	v24 =	vld.idx.msk [tilespmem:v28+s9+$0x0], $0xffff  }
0x64: {  	v21 =	vld.idx.msk [tilespmem:v33+s8+$0x0], $0xffff;
	v25 =	vsel vm8, v19, v18  }
0x65: {  	v10 =	vld.idx.msk [tilespmem:v35+s8+$0x0], $0xffff;
	v26 =	vadd.f32 v62, v25  }
0x66: {  	s17 =	simm.s32 $0x10;
	vm7 =	vne.s32 v22, v20;
	v19 =	vld.idx.msk [tilespmem:v63+s9+$0x0], $0xffff  }
0x67: {  	s18 =	simm.s32 $0x20;
	[tilespmem:v37+s12+$0x0] =	vst.idx.add.f32.msk vm10, v29;
	v18 =	vadd.s32 s17, v2;
	v26 =	vsel vm7, v62, v26  }
.LBB2_4:
0x68: {  	p0 =	slt.u32 s18, $0xC20;
	[tilespmem:v15+s12+$0x0] =	vst.idx.add.f32.msk vm6, v17;
	v15 =	vadd.f32 v24, v26  }
0x69: {  	s16 =	sadd.s32 $0x1, s17;
	vm6 =	vne.s32 v21, v22;
	[tilespmem:v23+s12+$0x0] =	vst.idx.add.f32.msk vm8, v27  }
0x6a: {  	v17 =	vadd.s32 s16, v2;
	[tilespmem:v13+s12+$0x0] =	vst.idx.add.f32.msk vm5, v16;
	v13 =	vsel vm6, v24, v15  }
0x6b: {  	[tilespmem:v11+s12+$0x0] =	vst.idx.add.f32.msk vm4, v14;
	v11 =	vadd.f32 v19, v13  }
0x6c: {  	s16 =	sadd.s32 $0x2, s17;
	vm4 =	vne.s32 v10, v21;
	v14 =	vld.idx.msk [tilespmem:v18+s3+$0x0], $0xffff  }
0x6d: {  	v15 =	vadd.s32 s16, v2;
	s16 =	simm.s32 $0xC30;
	[tilespmem:v20+s12+$0x0] =	vst.idx.add.f32.msk vm7, v25;
	v11 =	vsel vm4, v19, v11  }
0x6e: {  	[tilespmem:v8+s12+$0x0] =	vst.idx.add.f32.msk vm3, v12  }
0x6f: {  	s19 =	sadd.s32 $0x3, s17;
	v8 =	vld.idx.msk [tilespmem:v17+s3+$0x0], $0xffff  }
0x70: {  	v12 =	vadd.s32 s19, v2;
	[tilespmem:v22+s12+$0x0] =	vst.idx.add.f32.msk vm6, v26  }
0x71: {  	s19 =	sadd.s32 $0x4, s17;
	[tilespmem:v6+s12+$0x0] =	vst.idx.add.f32.msk vm2, v9  }
0x72: {  	v6 =	vshll.u32 v14, $0x4;
	v14 =	vadd.s32 s19, v2;
	v9 =	vld.idx.msk [tilespmem:v15+s3+$0x0], $0xffff  }
0x73: {  	v6 =	vor.u32 v0, v6;
	[tilespmem:v21+s12+$0x0] =	vst.idx.add.f32.msk vm4, v13  }
0x74: {  	s19 =	sadd.s32 $0x5, s17;
	[tilespmem:v5+s12+$0x0] =	vst.idx.add.f32.msk vm1, v7  }
0x75: {  	v16 =	vadd.s32 s19, v2;
	v5 =	vshll.u32 v8, $0x4;
	v7 =	vld.idx.msk [tilespmem:v12+s3+$0x0], $0xffff  }
0x76: {  	v8 =	vor.u32 v0, v5;
	[tilespmem:v3+s12+$0x0] =	vst.idx.add.f32.msk vm0, v4;
	v4 =	vmov v11;
	v3 =	vmov v10  }
0x77: {  	s19 =	sadd.s32 $0x6, s17;
	v13 =	vld.idx.msk [tilespmem:v14+s3+$0x0], $0xffff  }
0x78: {  	v20 =	vadd.s32 s19, v2;
	v19 =	vld.idx.msk [tilespmem:v6+s9+$0x0], $0xffff;
	v6 =	vshll.u32 v9, $0x4  }
0x79: {  	v5 =	vld.idx.msk [tilespmem:v18+s8+$0x0], $0xffff;
	v9 =	vor.u32 v0, v6  }
0x7a: {  	s19 =	sadd.s32 $0x7, s17;
	v18 =	vld.idx.msk [tilespmem:v16+s3+$0x0], $0xffff  }
0x7b: {  	v22 =	vadd.s32 s19, v2;
	v7 =	vshll.u32 v7, $0x4;
	v21 =	vld.idx.msk [tilespmem:v8+s9+$0x0], $0xffff  }
0x7c: {  	v6 =	vld.idx.msk [tilespmem:v17+s8+$0x0], $0xffff;
	v17 =	vor.u32 v0, v7  }
0x7d: {  	s19 =	sadd.s32 $0x8, s17;
	v23 =	vld.idx.msk [tilespmem:v20+s3+$0x0], $0xffff  }
0x7e: {  	v25 =	vadd.s32 s19, v2;
	v7 =	vadd.f32 v19, v11;
	v24 =	vld.idx.msk [tilespmem:v9+s9+$0x0], $0xffff;
	v9 =	vshll.u32 v13, $0x4  }
0x7f: {  	vm0 =	vne.s32 v5, v10;
	v8 =	vld.idx.msk [tilespmem:v15+s8+$0x0], $0xffff;
	v10 =	vor.u32 v0, v9  }
0x80: {  	s19 =	sadd.s32 $0x9, s17;
	v7 =	vsel vm0, v19, v7;
	v15 =	vld.idx.msk [tilespmem:v22+s3+$0x0], $0xffff  }
0x81: {  	v13 =	vshll.u32 v18, $0x4;
	v18 =	vadd.s32 s19, v2;
	v9 =	vadd.f32 v21, v7;
	v17 =	vld.idx.msk [tilespmem:v17+s9+$0x0], $0xffff  }
0x82: {  	v19 =	vor.u32 v0, v13;
	vm1 =	vne.s32 v6, v5;
	v11 =	vld.idx.msk [tilespmem:v12+s8+$0x0], $0xffff  }
0x83: {  	s19 =	sadd.s32 $0xA, s17;
	v9 =	vsel vm1, v21, v9;
	v21 =	vld.idx.msk [tilespmem:v25+s3+$0x0], $0xffff  }
0x84: {  	v26 =	vadd.s32 s19, v2;
	v23 =	vshll.u32 v23, $0x4;
	v12 =	vadd.f32 v24, v9;
	v10 =	vld.idx.msk [tilespmem:v10+s9+$0x0], $0xffff  }
0x85: {  	v23 =	vor.u32 v0, v23;
	vm2 =	vne.s32 v8, v6;
	v13 =	vld.idx.msk [tilespmem:v14+s8+$0x0], $0xffff  }
0x86: {  	s19 =	sadd.s32 $0xB, s17;
	v12 =	vsel vm2, v24, v12;
	v24 =	vld.idx.msk [tilespmem:v18+s3+$0x0], $0xffff  }
0x87: {  	v28 =	vadd.s32 s19, v2;
	v27 =	vshll.u32 v15, $0x4;
	v14 =	vadd.f32 v17, v12;
	v19 =	vld.idx.msk [tilespmem:v19+s9+$0x0], $0xffff  }
0x88: {  	v27 =	vor.u32 v0, v27;
	vm3 =	vne.s32 v11, v8;
	v15 =	vld.idx.msk [tilespmem:v16+s8+$0x0], $0xffff  }
0x89: {  	s19 =	sadd.s32 $0xC, s17;
	v14 =	vsel vm3, v17, v14;
	v29 =	vld.idx.msk [tilespmem:v26+s3+$0x0], $0xffff  }
0x8a: {  	v17 =	vshll.u32 v21, $0x4;
	v21 =	vadd.s32 s19, v2;
	v16 =	vadd.f32 v10, v14;
	v23 =	vld.idx.msk [tilespmem:v23+s9+$0x0], $0xffff  }
0x8b: {  	v30 =	vor.u32 v0, v17;
	vm4 =	vne.s32 v13, v11;
	v20 =	vld.idx.msk [tilespmem:v20+s8+$0x0], $0xffff  }
0x8c: {  	s19 =	sadd.s32 $0xD, s17;
	v16 =	vsel vm4, v10, v16;
	v10 =	vld.idx.msk [tilespmem:v28+s3+$0x0], $0xffff  }
0x8d: {  	v31 =	vadd.s32 s19, v2;
	v24 =	vshll.u32 v24, $0x4;
	v17 =	vadd.f32 v19, v16;
	v27 =	vld.idx.msk [tilespmem:v27+s9+$0x0], $0xffff  }
0x8e: {  	v24 =	vor.u32 v0, v24;
	vm5 =	vne.s32 v15, v13;
	v22 =	vld.idx.msk [tilespmem:v22+s8+$0x0], $0xffff  }
0x8f: {  	s19 =	sadd.s32 $0xE, s17;
	v17 =	vsel vm5, v19, v17;
	v19 =	vld.idx.msk [tilespmem:v21+s3+$0x0], $0xffff  }
0x90: {  	v33 =	vadd.s32 s19, v2;
	v29 =	vshll.u32 v29, $0x4;
	v32 =	vadd.f32 v23, v17;
	v30 =	vld.idx.msk [tilespmem:v30+s9+$0x0], $0xffff  }
0x91: {  	v29 =	vor.u32 v0, v29;
	vm6 =	vne.s32 v20, v15;
	v25 =	vld.idx.msk [tilespmem:v25+s8+$0x0], $0xffff  }
0x92: {  	s19 =	sadd.s32 $0xF, s17;
	s17 =	smov.u32 s18;
	v32 =	vsel vm6, v23, v32;
	v23 =	vld.idx.msk [tilespmem:v31+s3+$0x0], $0xffff  }
0x93: {  	v35 =	vadd.s32 s19, v2;
	v10 =	vshll.u32 v10, $0x4;
	v34 =	vadd.f32 v27, v32;
	v24 =	vld.idx.msk [tilespmem:v24+s9+$0x0], $0xffff  }
0x94: {  	v10 =	vor.u32 v0, v10;
	vm7 =	vne.s32 v22, v20;
	v18 =	vld.idx.msk [tilespmem:v18+s8+$0x0], $0xffff  }
0x95: {  	v27 =	vsel vm7, v27, v34;
	v34 =	vld.idx.msk [tilespmem:v33+s3+$0x0], $0xffff  }
0x96: {  	v19 =	vshll.u32 v19, $0x4;
	v36 =	vadd.f32 v30, v27;
	v29 =	vld.idx.msk [tilespmem:v29+s9+$0x0], $0xffff  }
0x97: {  	v19 =	vor.u32 v0, v19;
	vm8 =	vne.s32 v25, v22;
	v26 =	vld.idx.msk [tilespmem:v26+s8+$0x0], $0xffff  }
0x98: {  	v30 =	vsel vm8, v30, v36;
	v36 =	vld.idx.msk [tilespmem:v35+s3+$0x0], $0xffff  }
0x99: {  	v38 =	vshll.u32 v23, $0x4;
	v37 =	vadd.f32 v24, v30;
	v10 =	vld.idx.msk [tilespmem:v10+s9+$0x0], $0xffff  }
0x9a: {  	vm9 =	vne.s32 v18, v25;
	v23 =	vld.idx.msk [tilespmem:v28+s8+$0x0], $0xffff;
	v28 =	vor.u32 v0, v38  }
0x9b: {  	[tilespmem:v20+s12+$0x0] =	vst.idx.add.f32.msk vm7, v32;
	v32 =	vsel vm9, v24, v37  }
0x9c: {  	v34 =	vshll.u32 v34, $0x4;
	v24 =	vadd.f32 v29, v32;
	v19 =	vld.idx.msk [tilespmem:v19+s9+$0x0], $0xffff  }
0x9d: {  	vm7 =	vne.s32 v26, v18;
	v20 =	vld.idx.msk [tilespmem:v21+s8+$0x0], $0xffff;
	v21 =	vor.u32 v0, v34  }
0x9e: {  	[tilespmem:v22+s12+$0x0] =	vst.idx.add.f32.msk vm8, v27;
	v29 =	vsel vm7, v29, v24  }
0x9f: {  	v27 =	vshll.u32 v36, $0x4;
	v24 =	vadd.f32 v10, v29;
	v28 =	vld.idx.msk [tilespmem:v28+s9+$0x0], $0xffff  }
0xa0: {  	vm10 =	vne.s32 v23, v26;
	v22 =	vld.idx.msk [tilespmem:v31+s8+$0x0], $0xffff;
	v31 =	vor.u32 v0, v27  }
0xa1: {  	[tilespmem:v25+s12+$0x0] =	vst.idx.add.f32.msk vm9, v30;
	v27 =	vsel vm10, v10, v24  }
0xa2: {  	v10 =	vadd.f32 v19, v27;
	v24 =	vld.idx.msk [tilespmem:v21+s9+$0x0], $0xffff  }
.Ltmp1:
0xa3: {  	vm8 =	vne.s32 v20, v23;
	v21 =	vld.idx.msk [tilespmem:v33+s8+$0x0], $0xffff;
	(pc) =	sbr.rel @p0 .LBB2_4-.Ltmp1, $4  }
0xa4: {  	[tilespmem:v18+s12+$0x0] =	vst.idx.add.f32.msk vm7, v32;
	v25 =	vsel vm8, v19, v10  }
0xa5: {  	v30 =	vadd.f32 v28, v25;
	v19 =	vld.idx.msk [tilespmem:v31+s9+$0x0], $0xffff  }
0xa6: {  	vm7 =	vne.s32 v22, v20;
	v10 =	vld.idx.msk [tilespmem:v35+s8+$0x0], $0xffff  }
0xa7: {  	s18 =	sadd.s32 $0x10, s18;
	v18 =	vadd.s32 s17, v2;
	[tilespmem:v26+s12+$0x0] =	vst.idx.add.f32.msk vm10, v29;
	v26 =	vsel vm7, v28, v30  }
0xa8: {  	_ =	sdelay $0x4  }
0xa9: {  	[tilespmem:v15+s12+$0x0] =	vst.idx.add.f32.msk vm6, v17  }
0xaa: {  	[tilespmem:v23+s12+$0x0] =	vst.idx.add.f32.msk vm8, v27  }
0xab: {  	[tilespmem:v13+s12+$0x0] =	vst.idx.add.f32.msk vm5, v16  }
0xac: {  	[tilespmem:v11+s12+$0x0] =	vst.idx.add.f32.msk vm4, v14  }
0xad: {  	v49 =	vld.idx.msk [tilespmem:v18+s3+$0x0], $0xffff  }
0xae: {  	s18 =	sadd.s32 $0x1, s17;
	[tilespmem:v20+s12+$0x0] =	vst.idx.add.f32.msk vm7, v25  }
0xaf: {  	vm10 =	vne.s32 v21, v22;
	[tilespmem:v8+s12+$0x0] =	vst.idx.add.f32.msk vm3, v12;
	v48 =	vadd.s32 s18, v2  }
0xb0: {  	s30 =	sadd.s32 $0x2, s17;
	[tilespmem:v6+s12+$0x0] =	vst.idx.add.f32.msk vm2, v9  }
0xb1: {  	s31 =	sadd.s32 $0x3, s17;
	[tilespmem:v5+s12+$0x0] =	vst.idx.add.f32.msk vm1, v7;
	v50 =	vadd.s32 s30, v2  }
0xb2: {  	s19 =	sadd.s32 $0x4, s17;
	[tilespmem:v3+s12+$0x0] =	vst.idx.add.f32.msk vm0, v4;
	v52 =	vadd.s32 s31, v2  }
0xb3: {  	s21 =	sadd.s32 $0x6, s17;
	v3 =	vld.idx.msk [tilespmem:v18+s8+$0x0], $0xffff;
	v55 =	vadd.s32 s19, v2  }
0xb4: {  	v57 =	vadd.s32 s21, v2;
	v8 =	vld.idx.msk [tilespmem:v48+s3+$0x0], $0xffff  }
0xb5: {  	s23 =	sadd.s32 $0x8, s17;
	[tilespmem:v22+s12+$0x0] =	vst.idx.add.f32.msk vm10, v26  }
0xb6: {  	v63 =	vadd.s32 s23, v2;
	v54 =	vld.idx.msk [tilespmem:v50+s3+$0x0], $0xffff  }
0xb7: {  	s24 =	sadd.s32 $0x9, s17;
	v7 =	vld.idx.msk [tilespmem:v52+s3+$0x0], $0xffff  }
0xb8: {  	s25 =	sadd.s32 $0xA, s17;
	v39 =	vadd.s32 s24, v2;
	v56 =	vld.idx.msk [tilespmem:v55+s3+$0x0], $0xffff  }
0xb9: {  	v41 =	vadd.s32 s25, v2;
	v53 =	vshll.u32 v49, $0x4;
	v62 =	vld.idx.msk [tilespmem:v57+s3+$0x0], $0xffff  }
0xba: {  	v9 =	vor.u32 v0, v53;
	v14 =	vld.idx.msk [tilespmem:v52+s8+$0x0], $0xffff  }
0xbb: {  	v40 =	vld.idx.msk [tilespmem:v63+s3+$0x0], $0xffff;
	v5 =	vshll.u32 v8, $0x4  }
0xbc: {  	v12 =	vld.idx.msk [tilespmem:v55+s8+$0x0], $0xffff;
	v5 =	vor.u32 v0, v5  }
0xbd: {  	s20 =	sadd.s32 $0x5, s17;
	v43 =	vld.idx.msk [tilespmem:v39+s3+$0x0], $0xffff  }
0xbe: {  	v51 =	vadd.f32 v24, v26;
	vm11 =	vne.s32 v10, v21;
	v28 =	vld.idx.msk [tilespmem:v41+s3+$0x0], $0xffff;
	v8 =	vadd.s32 s20, v2  }
0xbf: {  	v9 =	vld.idx.msk [tilespmem:v9+s9+$0x0], $0xffff;
	v4 =	vshll.u32 v54, $0x4  }
0xc0: {  	v6 =	vsel vm10, v24, v51;
	v11 =	vld.idx.msk [tilespmem:v57+s8+$0x0], $0xffff;
	v58 =	vor.u32 v0, v4  }
0xc1: {  	s26 =	sadd.s32 $0xB, s17;
	v36 =	vadd.f32 v19, v6;
	v60 =	vld.idx.msk [tilespmem:v5+s9+$0x0], $0xffff;
	v5 =	vshll.u32 v7, $0x4  }
0xc2: {  	v44 =	vadd.s32 s26, v2;
	v4 =	vld.idx.msk [tilespmem:v48+s8+$0x0], $0xffff;
	v61 =	vor.u32 v0, v5;
	v5 =	vshll.u32 v56, $0x4  }
0xc3: {  	s22 =	sadd.s32 $0x7, s17;
	v59 =	vld.idx.msk [tilespmem:v8+s3+$0x0], $0xffff;
	v37 =	vor.u32 v0, v5;
	v5 =	vsel vm11, v19, v36  }
0xc4: {  	s28 =	sadd.s32 $0xC, s17;
	[tilespmem:v21+s12+$0x0] =	vst.idx.add.f32.msk vm11, v6;
	v7 =	vadd.s32 s22, v2;
	v22 =	vadd.f32 v9, v5  }
0xc5: {  	v46 =	vadd.s32 s28, v2;
	vm0 =	vne.s32 v3, v10;
	v17 =	vld.idx.msk [tilespmem:v58+s9+$0x0], $0xffff  }
0xc6: {  	v6 =	vld.idx.msk [tilespmem:v50+s8+$0x0], $0xffff;
	v9 =	vsel vm0, v9, v22  }
0xc7: {  	s29 =	sadd.s32 $0xD, s17;
	v30 =	vld.idx.msk [tilespmem:v44+s3+$0x0], $0xffff;
	v42 =	vadd.f32 v60, v9  }
0xc8: {  	v47 =	vadd.s32 s29, v2;
	vm1 =	vne.s32 v4, v3;
	v18 =	vshll.u32 v59, $0x4;
	v15 =	vld.idx.msk [tilespmem:v61+s9+$0x0], $0xffff  }
0xc9: {  	v38 =	vld.idx.msk [tilespmem:v7+s3+$0x0], $0xffff;
	v18 =	vor.u32 v0, v18;
	v20 =	vsel vm1, v60, v42  }
0xca: {  	v32 =	vld.idx.msk [tilespmem:v46+s3+$0x0], $0xffff;
	v45 =	vadd.f32 v17, v20  }
0xcb: {  	v21 =	vshll.u32 v62, $0x4;
	vm2 =	vne.s32 v6, v4;
	v13 =	vld.idx.msk [tilespmem:v37+s9+$0x0], $0xffff  }
0xcc: {  	v16 =	vld.idx.msk [tilespmem:v63+s8+$0x0], $0xffff;
	v21 =	vor.u32 v0, v21;
	v17 =	vsel vm2, v17, v45  }
0xcd: {  	v34 =	vld.idx.msk [tilespmem:v47+s3+$0x0], $0xffff;
	v24 =	vshll.u32 v40, $0x4;
	v29 =	vadd.f32 v15, v17  }
0xce: {  	v24 =	vor.u32 v0, v24;
	vm3 =	vne.s32 v14, v6;
	v18 =	vld.idx.msk [tilespmem:v18+s9+$0x0], $0xffff;
	v23 =	vshll.u32 v38, $0x4  }
0xcf: {  	v8 =	vld.idx.msk [tilespmem:v8+s8+$0x0], $0xffff;
	v23 =	vor.u32 v0, v23;
	v15 =	vsel vm3, v15, v29  }
0xd0: {  	v25 =	vld.idx.msk [tilespmem:v44+s8+$0x0], $0xffff;
	v26 =	vshll.u32 v43, $0x4;
	v31 =	vadd.f32 v13, v15  }
0xd1: {  	vm4 =	vne.s32 v12, v14;
	v28 =	vshll.u32 v28, $0x4;
	v26 =	vor.u32 v0, v26;
	v21 =	vld.idx.msk [tilespmem:v21+s9+$0x0], $0xffff  }
0xd2: {  	v27 =	vld.idx.msk [tilespmem:v46+s8+$0x0], $0xffff;
	v30 =	vshll.u32 v30, $0x4;
	v28 =	vor.u32 v0, v28;
	v13 =	vsel vm4, v13, v31  }
0xd3: {  	v32 =	vshll.u32 v32, $0x4;
	v30 =	vor.u32 v0, v30;
	v24 =	vld.idx.msk [tilespmem:v24+s9+$0x0], $0xffff;
	v33 =	vadd.f32 v18, v13  }
0xd4: {  	v34 =	vshll.u32 v34, $0x4;
	v32 =	vor.u32 v0, v32;
	vm5 =	vne.s32 v8, v12;
	v23 =	vld.idx.msk [tilespmem:v23+s9+$0x0], $0xffff  }
0xd5: {  	v34 =	vor.u32 v0, v34;
	v7 =	vld.idx.msk [tilespmem:v7+s8+$0x0], $0xffff;
	v18 =	vsel vm5, v18, v33  }
0xd6: {  	v26 =	vld.idx.msk [tilespmem:v26+s9+$0x0], $0xffff;
	v35 =	vadd.f32 v21, v18  }
0xd7: {  	s30 =	sadd.s32 $0xE, s17;
	v28 =	vld.idx.msk [tilespmem:v28+s9+$0x0], $0xffff;
	vm6 =	vne.s32 v11, v8  }
0xd8: {  	v48 =	vadd.s32 s30, v2;
	v30 =	vld.idx.msk [tilespmem:v30+s9+$0x0], $0xffff;
	v21 =	vsel vm6, v21, v35  }
0xd9: {  	v51 =	vld.idx.msk [tilespmem:v32+s9+$0x0], $0xffff;
	v35 =	vadd.f32 v23, v21  }
0xda: {  	s31 =	sadd.s32 $0xF, s17;
	v54 =	vld.idx.msk [tilespmem:v34+s9+$0x0], $0xffff;
	vm12 =	vne.s32 v7, v11  }
0xdb: {  	v49 =	vadd.s32 s31, v2;
	v19 =	vld.idx.msk [tilespmem:v39+s8+$0x0], $0xffff;
	vm13 =	vne.s32 v16, v7;
	v23 =	vsel vm12, v23, v35  }
0xdc: {  	v22 =	vld.idx.msk [tilespmem:v41+s8+$0x0], $0xffff;
	v35 =	vadd.f32 v24, v23  }
0xdd: {  	v58 =	vld.idx.msk [tilespmem:v48+s8+$0x0], $0xffff  }
0xde: {  	v36 =	vld.idx.msk [tilespmem:v48+s3+$0x0], $0xffff;
	v50 =	vsel vm13, v24, v35  }
0xdf: {  	[tilespmem:v10+s12+$0x0] =	vst.idx.add.f32.msk vm0, v5;
	v53 =	vadd.f32 v26, v50  }
0xe0: {  	v37 =	vld.idx.msk [tilespmem:v49+s3+$0x0], $0xffff;
	vm9 =	vne.s32 v19, v16  }
0xe1: {  	vm14 =	vne.s32 v22, v19;
	[tilespmem:v7+s12+$0x0] =	vst.idx.add.f32.msk vm13, v23;
	v7 =	vsel vm9, v26, v53  }
0xe2: {  	[tilespmem:v3+s12+$0x0] =	vst.idx.add.f32.msk vm1, v9;
	v26 =	vadd.f32 v28, v7  }
0xe3: {  	v52 =	vshll.u32 v36, $0x4;
	v29 =	vld.idx.msk [tilespmem:v47+s8+$0x0], $0xffff  }
0xe4: {  	[tilespmem:v4+s12+$0x0] =	vst.idx.add.f32.msk vm2, v20;
	v24 =	vor.u32 v0, v52;
	v57 =	vsel vm14, v28, v26  }
0xe5: {  	[tilespmem:v6+s12+$0x0] =	vst.idx.add.f32.msk vm3, v17;
	v26 =	vadd.f32 v30, v57  }
0xe6: {  	vm15 =	vne.s32 v25, v22;
	v55 =	vshll.u32 v37, $0x4;
	[tilespmem:v11+s12+$0x0] =	vst.idx.add.f32.msk vm12, v21  }
0xe7: {  	v32 =	vor.u32 v0, v55;
	[tilespmem:v19+s12+$0x0] =	vst.idx.add.f32.msk vm14, v7;
	v59 =	vsel vm15, v30, v26  }
0xe8: {  	vm13 =	vne.s32 v29, v27;
	v7 =	vld.idx.msk [tilespmem:v49+s8+$0x0], $0xffff;
	v61 =	vadd.f32 v51, v59  }
0xe9: {  	vm12 =	vne.s32 v27, v25;
	v56 =	vld.idx.msk [tilespmem:v24+s9+$0x0], $0xffff  }
0xea: {  	[tilespmem:v8+s12+$0x0] =	vst.idx.add.f32.msk vm6, v18;
	v8 =	vsel vm12, v51, v61  }
0xeb: {  	[tilespmem:v14+s12+$0x0] =	vst.idx.add.f32.msk vm4, v15;
	v62 =	vadd.f32 v54, v8  }
0xec: {  	v60 =	vld.idx.msk [tilespmem:v32+s9+$0x0], $0xffff;
	vm14 =	vne.s32 v58, v29  }
0xed: {  	[tilespmem:v22+s12+$0x0] =	vst.idx.add.f32.msk vm15, v57;
	vm15 =	vne.s32 v7, v58;
	v63 =	vsel vm13, v54, v62  }
0xee: {  	[tilespmem:v27+s12+$0x0] =	vst.idx.add.f32.msk vm13, v8;
	v8 =	vadd.f32 v56, v63  }
0xef: {  	[tilespmem:v12+s12+$0x0] =	vst.idx.add.f32.msk vm5, v13  }
0xf0: {  	[tilespmem:v16+s12+$0x0] =	vst.idx.add.f32.msk vm9, v50;
	v6 =	vsel vm14, v56, v8  }
0xf1: {  	[tilespmem:v25+s12+$0x0] =	vst.idx.add.f32.msk vm12, v59;
	v4 =	vadd.f32 v60, v6  }
0xf2: {  	[tilespmem:v29+s12+$0x0] =	vst.idx.add.f32.msk vm14, v63  }
0xf3: {  	[tilespmem:v58+s12+$0x0] =	vst.idx.add.f32.msk vm15, v6;
	v3 =	vsel vm15, v60, v4  }
.LBB2_6:
0xf4: {  	v4 =	vadd.s32 s16, v2;
	_ =	sdelay $0x4  }
0xf5: {  	v5 =	vld.idx.msk [tilespmem:v4+s3+$0x0], $0xffff;
	_ =	sdelay $0x4  }
0xf6: {  	v5 =	vshll.u32 v5, $0x4  }
0xf7: {  	v6 =	vmov v7;
	v7 =	vld.idx.msk [tilespmem:v4+s8+$0x0], $0xffff;
	v4 =	vor.u32 v0, v5;
	_ =	sdelay $0x4  }
0xf8: {  	v4 =	vld.idx.msk [tilespmem:v4+s9+$0x0], $0xffff  }
0xf9: {  	vm0 =	vne.s32 v7, v6  }
0xfa: {  	p0 =	sne.s32 s16, $0xC34  }
.Ltmp2:
0xfb: {  	_ = 	snop;
	(pc) =	sbr.rel @p0 .LBB2_6-.Ltmp2, $3  }
0xfc: {  	_ = 	snop  }
0xfd: {  	v5 =	vadd.f32 v4, v3;
	_ =	sdelay $0x1  }
0xfe: {  	s16 =	sadd.s32 $0x1, s16;
	[tilespmem:v6+s12+$0x0] =	vst.idx.add.f32.msk vm0, v3;
	v3 =	vsel vm0, v4, v5  }
0xff: {  	_ =	sdelay $0x1  }
0x100: {  	s15 =	sadd.s32 $0x1, s15  }
0x101: {  	p0 =	sne.s32 s15, s7  }
.Ltmp3:
0x102: {  	[tilespmem:v7+s12+$0x0] =	vst.idx.add.f32.msk $0xffff, v3;
	(pc) =	sbr.rel @p0 .LBB2_1-.Ltmp3, $4  }
0x103: {  	[hbm4b:s6+s13] =	stream.strided.scatter [tilespmem:s12], [sflag:$0x2], $0x4000, s14, s13, $0x38;
	[tilespmem:$0x1CD00] =	vst v63  }
0x104: {  	_ =	swait.ge [sflag:s10], $0x4000  }
0x105: {  	[sflag:s10] =	ssyncset.done $0x0  }
0x106: {  	[sflag:s10] =	ssyncadd.s32 $0xFFFFC000  }
0x107: {  	_ =	sfence.sel $0x180000  }
0x108: {  	[bflag:$0x0] =	sbarrier.arrive $0xFFFF  }
0x109: {  	p0 =	sne.s32 s1, $0x0;
	_ =	strace $0x90000047  }
0x10a: {  	s0 =	sadd.s32 @!p0 $0x100000, s0;
	[bflag:$0x2] =	sbarrier.arrive $0xFFFF  }
0x10b: {  	[sflag:s0] =	ssyncadd.tile.s32 @!p0 $0x1;
	_ =	shalt  }
.Lfunc_end2:
_tile_overlayer_lowered:
.L_overlay_start_2:
0x10c: {  	(tag) =	ssettag $0x2  }
0x10d: {  	s0 =	rddreg [dreg:$0x0];
	s2 =	stileid.u32  }
0x10e: {  	s1 =	rddreg [dreg:$0x1];
	p0 =	sne.s32 s2, $0x0  }
0x10f: {  	s3 =	rddreg [dreg:$0x2];
	[bflag:$0x3] =	sbarrier.arrive $0xFFFF;
	s2 =	simm.s32 @!p0 $0x1C02  }
0x110: {  	[timem:s3], [sflag:s2] =	dma.local @!p0 [hbm:s0], s1  }
0x111: {  	s0 =	simm.s32 @!p0 $0x2  }
0x112: {  	_ =	swait.ge @!p0 [sflag:s0], s1  }
0x113: {  	s1 =	ssub.s32 @!p0 $0x0, s1;
	[sflag:s0] =	ssyncset.done @!p0 $0x0  }
0x114: {  	[sflag:s0] =	ssyncadd.s32 @!p0 s1  }
0x115: {  	[bflag:$0x3] =	sbarrier.arrive $0xFFFF  }
0x116: {  	_ =	shalt  }

</sc_bundles>
